<compile_context>
chip_gen: v7x
topology: tpu7x:2x2x1
jax: 0.10.2.dev20260603
libtpu: 0.0.44.dev20260713+nightly
codegen_flags: <defaults>
</compile_context>

<pallas_src>
import functools

import jax
import jax.numpy as jnp
from jax import lax
from jax.experimental import pallas as pl
from jax.experimental.pallas import tpu as pltpu
from jax.experimental.pallas import tpu_sc as plsc

N = 10000
E = 320000
F = 128
H = F // 2

NC = 2
NS = 16
EPT = E // NS
K = 80
CHUNKS = 250
EPT_PAD = CHUNKS * K
N_PAD = 10240
ROWS_PER_TILE = N_PAD // NS


def _sc_segment_sum(x2, src_pair, dst3, zeros):
    mesh = plsc.VectorSubcoreMesh(core_axis_name="c", subcore_axis_name="s",
                                  num_cores=NC, num_subcores=NS)

    @functools.partial(
        pl.kernel,
        out_type=jax.ShapeDtypeStruct((NC * N_PAD, H), jnp.float32),
        mesh=mesh,
        scratch_types=[
            pltpu.VMEM((CHUNKS, K), jnp.int32),
            pltpu.VMEM((CHUNKS, K), jnp.int32),
            [pltpu.VMEM((K, H), jnp.float32)] * 4,
            pltpu.VMEM_SHARED((N_PAD, H), jnp.float32),
            [pltpu.SemaphoreType.DMA] * 4,
            [pltpu.SemaphoreType.DMA] * 4,
        ],
        compiler_params=pltpu.CompilerParams(use_tc_tiling_on_sc=False),
    )
    def seg_kernel(x_hbm, src_hbm, dst_hbm, zeros_hbm, out_hbm,
                   sidx, didx, rows, acc, gsem, ssem):
        cid = lax.axis_index("c")
        sid = lax.axis_index("s")

        pltpu.sync_copy(src_hbm.at[cid, sid], sidx)
        pltpu.sync_copy(dst_hbm.at[sid], didx)
        pltpu.sync_copy(zeros_hbm, acc.at[pl.ds(sid * ROWS_PER_TILE,
                                                ROWS_PER_TILE)])
        plsc.subcore_barrier()

        def wait_gather(r):
            pltpu.make_async_copy(x_hbm.at[pl.ds(0, K)], rows[r],
                                  gsem[r]).wait()

        def wait_scatter(r):
            pltpu.make_async_copy(rows[r], acc.at[didx.at[0]],
                                  ssem[r]).wait()

        def chunk_body(i, r, do_ss, do_gather):
            e = (r + 2) % 4
            wait_gather(r)
            pltpu.async_copy(rows[r], acc.at[didx.at[i]], ssem[r], add=True)
            if do_ss:
                wait_scatter(e)
            if do_gather:
                pltpu.async_copy(x_hbm.at[sidx.at[i + 2]], rows[e], gsem[e])

        pltpu.async_copy(x_hbm.at[sidx.at[0]], rows[0], gsem[0])
        pltpu.async_copy(x_hbm.at[sidx.at[1]], rows[1], gsem[1])

        def step(c, r, do_gather):
            wait_gather(r)
            pltpu.sync_copy(rows[r], acc.at[didx.at[c]], add=True)
            if do_gather:
                pltpu.async_copy(x_hbm.at[sidx.at[c + 2]], rows[r], gsem[r])

        def body(j, _):
            step(2 * j, 0, True)
            step(2 * j + 1, 1, True)
            return 0

        lax.fori_loop(0, CHUNKS // 2 - 1, body, 0)
        step(CHUNKS - 2, 0, False)
        step(CHUNKS - 1, 1, False)
        plsc.subcore_barrier()

        row0 = sid * ROWS_PER_TILE
        pltpu.sync_copy(acc.at[pl.ds(row0, ROWS_PER_TILE)],
                        out_hbm.at[pl.ds(cid * N_PAD + row0, ROWS_PER_TILE)])

    return seg_kernel(x2, src_pair, dst3, zeros)


def _tc_linear(x, parts, in_a, out_a, Wx, Ws0, Ws1, b):
    B = 1000
    grid = N // B

    def body(x_ref, p_ref, ina_ref, outa_ref, wx_ref, ws0_ref, ws1_ref,
             b_ref, o_ref):
        mm = functools.partial(jnp.dot, preferred_element_type=jnp.float32,
                               precision=lax.Precision.HIGHEST)
        res = (mm(x_ref[...], wx_ref[...])
               + mm(p_ref[0], ws0_ref[...])
               + mm(p_ref[1], ws1_ref[...])
               + b_ref[...])
        o_ref[...] = ina_ref[...] * res[:, :F] + outa_ref[...] * res[:, F:]

    return pl.pallas_call(
        body,
        grid=(grid,),
        in_specs=[
            pl.BlockSpec((B, F), lambda i: (i, 0)),
            pl.BlockSpec((NC, B, H), lambda i: (0, i, 0)),
            pl.BlockSpec((B, 1), lambda i: (i, 0)),
            pl.BlockSpec((B, 1), lambda i: (i, 0)),
            pl.BlockSpec((F, 2 * F), lambda i: (0, 0)),
            pl.BlockSpec((H, 2 * F), lambda i: (0, 0)),
            pl.BlockSpec((H, 2 * F), lambda i: (0, 0)),
            pl.BlockSpec((1, 2 * F), lambda i: (0, 0)),
        ],
        out_specs=pl.BlockSpec((B, F), lambda i: (i, 0)),
        out_shape=jax.ShapeDtypeStruct((N, F), jnp.float32),
    )(x, parts, in_a, out_a, Wx, Ws0, Ws1, b)


def kernel(x, edge_index, in_a, out_a, W_in, b_in, W_out, b_out):
    pad = EPT_PAD - EPT
    src = jnp.pad(edge_index[0].reshape(NS, EPT), ((0, 0), (0, pad)))
    dst = jnp.pad(edge_index[1].reshape(NS, EPT), ((0, 0), (0, pad)),
                  constant_values=N)
    x2 = x.reshape(N, NC, H).swapaxes(0, 1).reshape(NC * N, H)
    src_pair = jnp.stack([src, src + N]).reshape(NC, NS, CHUNKS, K)
    dst3 = dst.reshape(NS, CHUNKS, K)
    zeros = jnp.zeros((ROWS_PER_TILE, H), jnp.float32)
    parts = _sc_segment_sum(x2, src_pair, dst3, zeros).reshape(NC, N_PAD, H)

    Wx = jnp.concatenate([W_in[:, :F].T, W_out[:, :F].T], axis=1)
    Ws = jnp.concatenate([W_in[:, F:].T, W_out[:, F:].T], axis=1)
    b = jnp.concatenate([b_in, b_out]).reshape(1, 2 * F)
    return _tc_linear(x, parts, in_a, out_a, Wx, Ws[:H], Ws[H:], b)

# --- scband reference (transcript-rebuilt; emitter-appended) ---
"""Pipeline reference for scband-stat-neighbor-79525614453056 (READ-ONLY COPY).

The authoritative reference and input builder live on the scoring server;
editing this copy changes nothing except your own understanding.
"""

import jax, jax.numpy as jnp
import numpy as np

N = 10000
E = 320000
F = 128

def setup_inputs(seed: int = 0) -> dict:
    key = jax.random.key(seed)
    ks = jax.random.split(key, 8)
    x = jax.random.normal(ks[0], (N, F), dtype=jnp.float32)
    edge_index = jax.random.randint(ks[1], (2, E), 0, N, dtype=jnp.int32)
    in_a = jax.random.uniform(ks[2], (N, 1), dtype=jnp.float32)
    out_a = jax.random.uniform(ks[3], (N, 1), dtype=jnp.float32)
    s = 1.0 / np.sqrt(2 * F)
    W_in = jax.random.uniform(ks[4], (F, 2 * F), minval=-s, maxval=s, dtype=jnp.float32)
    b_in = jax.random.uniform(ks[5], (F,), minval=-s, maxval=s, dtype=jnp.float32)
    W_out = jax.random.uniform(ks[6], (F, 2 * F), minval=-s, maxval=s, dtype=jnp.float32)
    b_out = jax.random.uniform(ks[7], (F,), minval=-s, maxval=s, dtype=jnp.float32)
    return {"x": x, "edge_index": edge_index, "in_a": in_a, "out_a": out_a,
            "W_in": W_in, "b_in": b_in, "W_out": W_out, "b_out": b_out}

def reference(x, edge_index, in_a, out_a, W_in, b_in, W_out, b_out):
    src = edge_index[0]
    dst = edge_index[1]
    # update_all(copy_src, sum): scatter-add source features into dst nodes
    msgs = jnp.take(x, src, axis=0)                      # gather  [E, F]
    src_fea = jax.ops.segment_sum(msgs, dst, num_segments=x.shape[0])  # [N, F]
    fea = jnp.concatenate([x, src_fea], axis=-1)          # [N, 2F]
    in_fea = fea @ W_in.T + b_in                          # fc_in
    out_fea = fea @ W_out.T + b_out                       # fc_out
    return out_a * out_fea + in_a * in_fea

if __name__ == "__main__":
    import jax
    _d = setup_inputs()
    print(jax.jit(kernel)(*tuple(_d.values())))

</pallas_src>

<mosaic_0001>
#map = affine_map<(d0, d1) -> (0, 0)>
#map1 = affine_map<(d0, d1) -> (0, 0, 0, 0)>
#map2 = affine_map<(d0, d1) -> (0, 0, 0)>
module attributes {stable_mosaic.version = 14 : i64} {
  func.func @seg_kernel(%arg0: i32, %arg1: i32, %arg2: memref<20000x64xf32, #tpu.memory_space<hbm>>, %arg3: memref<2x16x250x80xi32, #tpu.memory_space<hbm>>, %arg4: memref<16x250x80xi32, #tpu.memory_space<hbm>>, %arg5: memref<640x64xf32, #tpu.memory_space<hbm>>, %arg6: memref<20480x64xf32, #tpu.memory_space<hbm>>, %arg7: memref<250x80xi32, #tpu.memory_space<vmem>>, %arg8: memref<250x80xi32, #tpu.memory_space<vmem>>, %arg9: memref<80x64xf32, #tpu.memory_space<vmem>>, %arg10: memref<80x64xf32, #tpu.memory_space<vmem>>, %arg11: memref<80x64xf32, #tpu.memory_space<vmem>>, %arg12: memref<80x64xf32, #tpu.memory_space<vmem>>, %arg13: memref<10240x64xf32, #tpu.memory_space<vmem_shared>>, %arg14: memref<!tpu.dma_semaphore, #tpu.memory_space<semaphore_mem>>, %arg15: memref<!tpu.dma_semaphore, #tpu.memory_space<semaphore_mem>>, %arg16: memref<!tpu.dma_semaphore, #tpu.memory_space<semaphore_mem>>, %arg17: memref<!tpu.dma_semaphore, #tpu.memory_space<semaphore_mem>>, %arg18: memref<!tpu.dma_semaphore, #tpu.memory_space<semaphore_mem>>, %arg19: memref<!tpu.dma_semaphore, #tpu.memory_space<semaphore_mem>>, %arg20: memref<!tpu.dma_semaphore, #tpu.memory_space<semaphore_mem>>, %arg21: memref<!tpu.dma_semaphore, #tpu.memory_space<semaphore_mem>>) attributes {dimension_semantics = [#tpu.dimension_semantics<core_parallel>, #tpu.dimension_semantics<subcore_parallel>], iteration_bounds = array<i64: 2, 16>, scalar_prefetch = 0 : i64, scratch_operands = 15 : i64, tpu.core_type = #tpu.core_type<sc_vector_subcore>, window_params = [{transform_indices = #map}, {transform_indices = #map1}, {transform_indices = #map2}, {transform_indices = #map}, {transform_indices = #map}]} {
    "tpu.region"() ({
      %run_scoped3A_37 = tpu.sem_alloc : memref<!tpu.dma_semaphore, #tpu.memory_space<semaphore_mem>>
      %dma_start3A_38 = arith.constant 0 : i32
      %dma_start3A_39 = arith.constant 0 : i32
      %dma_start3A_40 = tpu.memref_slice %arg3[%arg0, %arg1, %dma_start3A_38, %dma_start3A_39] : memref<2x16x250x80xi32, #tpu.memory_space<hbm>> -> memref<1x1x250x80xi32, #tpu.memory_space<hbm>>
      %dma_start3A_41 = tpu.memref_squeeze %dma_start3A_40 : memref<1x1x250x80xi32, #tpu.memory_space<hbm>> -> memref<250x80xi32, #tpu.memory_space<hbm>>
      %dma_start3A_42 = arith.constant 0 : i32
      %dma_start3A_43 = arith.constant 0 : i32
      %dma_start3A_44 = tpu.memref_slice %arg3[%arg0, %arg1, %dma_start3A_42, %dma_start3A_43] : memref<2x16x250x80xi32, #tpu.memory_space<hbm>> -> memref<1x1x250x80xi32, #tpu.memory_space<hbm>>
      %dma_start3A_45 = tpu.memref_squeeze %dma_start3A_44 : memref<1x1x250x80xi32, #tpu.memory_space<hbm>> -> memref<250x80xi32, #tpu.memory_space<hbm>>
      tpu.enqueue_dma source(%dma_start3A_45 : memref<250x80xi32, #tpu.memory_space<hbm>>) target(%arg7 : memref<250x80xi32, #tpu.memory_space<vmem>>) target_semaphore(%run_scoped3A_37 : memref<!tpu.dma_semaphore, #tpu.memory_space<semaphore_mem>>)
      %dma_wait3A_46 = arith.constant 0 : i32
      %dma_wait3A_47 = arith.constant 0 : i32
      %dma_wait3A_48 = tpu.memref_slice %arg3[%arg0, %arg1, %dma_wait3A_46, %dma_wait3A_47] : memref<2x16x250x80xi32, #tpu.memory_space<hbm>> -> memref<1x1x250x80xi32, #tpu.memory_space<hbm>>
      %dma_wait3A_49 = tpu.memref_squeeze %dma_wait3A_48 : memref<1x1x250x80xi32, #tpu.memory_space<hbm>> -> memref<250x80xi32, #tpu.memory_space<hbm>>
      %dma_wait3A_50 = arith.constant 0 : i32
      %dma_wait3A_51 = arith.constant 0 : i32
      %dma_wait3A_52 = tpu.memref_slice %arg3[%arg0, %arg1, %dma_wait3A_50, %dma_wait3A_51] : memref<2x16x250x80xi32, #tpu.memory_space<hbm>> -> memref<1x1x250x80xi32, #tpu.memory_space<hbm>>
      %dma_wait3A_53 = tpu.memref_squeeze %dma_wait3A_52 : memref<1x1x250x80xi32, #tpu.memory_space<hbm>> -> memref<250x80xi32, #tpu.memory_space<hbm>>
      tpu.wait_dma2 semaphore(%run_scoped3A_37 : memref<!tpu.dma_semaphore, #tpu.memory_space<semaphore_mem>>) src(%dma_wait3A_53 : memref<250x80xi32, #tpu.memory_space<hbm>>) dst(%arg7 : memref<250x80xi32, #tpu.memory_space<vmem>>)
      tpu.yield
    }) : () -> ()
    "tpu.region"() ({
      %run_scoped3A_37 = tpu.sem_alloc : memref<!tpu.dma_semaphore, #tpu.memory_space<semaphore_mem>>
      %dma_start3A_38 = arith.constant 0 : i32
      %dma_start3A_39 = arith.constant 0 : i32
      %dma_start3A_40 = tpu.memref_slice %arg4[%arg1, %dma_start3A_38, %dma_start3A_39] : memref<16x250x80xi32, #tpu.memory_space<hbm>> -> memref<1x250x80xi32, #tpu.memory_space<hbm>>
      %dma_start3A_41 = tpu.memref_squeeze %dma_start3A_40 : memref<1x250x80xi32, #tpu.memory_space<hbm>> -> memref<250x80xi32, #tpu.memory_space<hbm>>
      %dma_start3A_42 = arith.constant 0 : i32
      %dma_start3A_43 = arith.constant 0 : i32
      %dma_start3A_44 = tpu.memref_slice %arg4[%arg1, %dma_start3A_42, %dma_start3A_43] : memref<16x250x80xi32, #tpu.memory_space<hbm>> -> memref<1x250x80xi32, #tpu.memory_space<hbm>>
      %dma_start3A_45 = tpu.memref_squeeze %dma_start3A_44 : memref<1x250x80xi32, #tpu.memory_space<hbm>> -> memref<250x80xi32, #tpu.memory_space<hbm>>
      tpu.enqueue_dma source(%dma_start3A_45 : memref<250x80xi32, #tpu.memory_space<hbm>>) target(%arg8 : memref<250x80xi32, #tpu.memory_space<vmem>>) target_semaphore(%run_scoped3A_37 : memref<!tpu.dma_semaphore, #tpu.memory_space<semaphore_mem>>)
      %dma_wait3A_46 = arith.constant 0 : i32
      %dma_wait3A_47 = arith.constant 0 : i32
      %dma_wait3A_48 = tpu.memref_slice %arg4[%arg1, %dma_wait3A_46, %dma_wait3A_47] : memref<16x250x80xi32, #tpu.memory_space<hbm>> -> memref<1x250x80xi32, #tpu.memory_space<hbm>>
      %dma_wait3A_49 = tpu.memref_squeeze %dma_wait3A_48 : memref<1x250x80xi32, #tpu.memory_space<hbm>> -> memref<250x80xi32, #tpu.memory_space<hbm>>
      %dma_wait3A_50 = arith.constant 0 : i32
      %dma_wait3A_51 = arith.constant 0 : i32
      %dma_wait3A_52 = tpu.memref_slice %arg4[%arg1, %dma_wait3A_50, %dma_wait3A_51] : memref<16x250x80xi32, #tpu.memory_space<hbm>> -> memref<1x250x80xi32, #tpu.memory_space<hbm>>
      %dma_wait3A_53 = tpu.memref_squeeze %dma_wait3A_52 : memref<1x250x80xi32, #tpu.memory_space<hbm>> -> memref<250x80xi32, #tpu.memory_space<hbm>>
      tpu.wait_dma2 semaphore(%run_scoped3A_37 : memref<!tpu.dma_semaphore, #tpu.memory_space<semaphore_mem>>) src(%dma_wait3A_53 : memref<250x80xi32, #tpu.memory_space<hbm>>) dst(%arg8 : memref<250x80xi32, #tpu.memory_space<vmem>>)
      tpu.yield
    }) : () -> ()
    %mul3A = arith.constant 640 : i32
    %mul3A_0 = arith.muli %arg1, %mul3A : i32
    "tpu.region"() ({
      %run_scoped3A_37 = tpu.sem_alloc : memref<!tpu.dma_semaphore, #tpu.memory_space<semaphore_mem>>
      %dma_start3A_38 = arith.constant 0 : i32
      %dma_start3A_39 = tpu.memref_slice %arg13[%mul3A_0, %dma_start3A_38] : memref<10240x64xf32, #tpu.memory_space<vmem_shared>> -> memref<640x64xf32, #tpu.memory_space<vmem_shared>>
      tpu.enqueue_dma source(%arg5 : memref<640x64xf32, #tpu.memory_space<hbm>>) target(%dma_start3A_39 : memref<640x64xf32, #tpu.memory_space<vmem_shared>>) target_semaphore(%run_scoped3A_37 : memref<!tpu.dma_semaphore, #tpu.memory_space<semaphore_mem>>)
      %dma_wait3A_40 = arith.constant 0 : i32
      %dma_wait3A_41 = tpu.memref_slice %arg13[%mul3A_0, %dma_wait3A_40] : memref<10240x64xf32, #tpu.memory_space<vmem_shared>> -> memref<640x64xf32, #tpu.memory_space<vmem_shared>>
      tpu.wait_dma2 semaphore(%run_scoped3A_37 : memref<!tpu.dma_semaphore, #tpu.memory_space<semaphore_mem>>) src(%arg5 : memref<640x64xf32, #tpu.memory_space<hbm>>) dst(%dma_wait3A_41 : memref<640x64xf32, #tpu.memory_space<vmem_shared>>)
      tpu.yield
    }) : () -> ()
    %barrier3A = arith.constant 0 : index
    tpu.barrier barrier_id(%barrier3A)
    %dma_start3A = arith.constant 0 : i32
    %dma_start3A_1 = arith.constant 0 : i32
    %dma_start3A_2 = tpu.memref_slice %arg7[%dma_start3A, %dma_start3A_1] : memref<250x80xi32, #tpu.memory_space<vmem>> -> memref<1x80xi32, #tpu.memory_space<vmem>>
    %dma_start3A_3 = tpu.memref_squeeze %dma_start3A_2 : memref<1x80xi32, #tpu.memory_space<vmem>> -> memref<80xi32, #tpu.memory_space<vmem>>
    %dma_start3A_4 = arith.constant 0 : i32
    %dma_start3A_5 = arith.constant 0 : i32
    %dma_start3A_6 = tpu.memref_slice %arg2[%dma_start3A_4, %dma_start3A_5] : memref<20000x64xf32, #tpu.memory_space<hbm>> -> memref<20000x64xf32, #tpu.memory_space<hbm>>
    tpu.enqueue_indirect_dma source(%dma_start3A_6 : memref<20000x64xf32, #tpu.memory_space<hbm>>) target(%arg9 : memref<80x64xf32, #tpu.memory_space<vmem>>) offsets(%dma_start3A_3 : memref<80xi32, #tpu.memory_space<vmem>>) semaphore(%arg14 : memref<!tpu.dma_semaphore, #tpu.memory_space<semaphore_mem>>)
    %dma_start3A_7 = arith.constant 1 : i32
    %dma_start3A_8 = arith.constant 0 : i32
    %dma_start3A_9 = tpu.memref_slice %arg7[%dma_start3A_7, %dma_start3A_8] : memref<250x80xi32, #tpu.memory_space<vmem>> -> memref<1x80xi32, #tpu.memory_space<vmem>>
    %dma_start3A_10 = tpu.memref_squeeze %dma_start3A_9 : memref<1x80xi32, #tpu.memory_space<vmem>> -> memref<80xi32, #tpu.memory_space<vmem>>
    %dma_start3A_11 = arith.constant 0 : i32
    %dma_start3A_12 = arith.constant 0 : i32
    %dma_start3A_13 = tpu.memref_slice %arg2[%dma_start3A_11, %dma_start3A_12] : memref<20000x64xf32, #tpu.memory_space<hbm>> -> memref<20000x64xf32, #tpu.memory_space<hbm>>
    tpu.enqueue_indirect_dma source(%dma_start3A_13 : memref<20000x64xf32, #tpu.memory_space<hbm>>) target(%arg10 : memref<80x64xf32, #tpu.memory_space<vmem>>) offsets(%dma_start3A_10 : memref<80xi32, #tpu.memory_space<vmem>>) semaphore(%arg15 : memref<!tpu.dma_semaphore, #tpu.memory_space<semaphore_mem>>)
    %scan3A = arith.constant 0 : i32
    %scan3A_14 = arith.constant 0 : i32
    %scan3A_15 = arith.constant 124 : i32
    %scan3A_16 = arith.addi %scan3A_14, %scan3A_15 : i32
    %scan3A_17 = arith.constant 1 : i32
    %scan3A_18 = scf.for %scan3A_37 = %scan3A_14 to %scan3A_16 step %scan3A_17 iter_args(%scan3A_38 = %scan3A) -> (i32)  : i32 {
      %mul3A_39 = arith.constant 2 : i32
      %mul3A_40 = arith.muli %mul3A_39, %scan3A_37 : i32
      %dma_wait3A_41 = arith.constant 0 : i32
      %dma_wait3A_42 = arith.constant 0 : i32
      %dma_wait3A_43 = tpu.memref_slice %arg2[%dma_wait3A_41, %dma_wait3A_42] : memref<20000x64xf32, #tpu.memory_space<hbm>> -> memref<80x64xf32, #tpu.memory_space<hbm>>
      %dma_wait3A_44 = arith.constant 0 : i32
      %dma_wait3A_45 = arith.constant 0 : i32
      %dma_wait3A_46 = tpu.memref_slice %arg2[%dma_wait3A_44, %dma_wait3A_45] : memref<20000x64xf32, #tpu.memory_space<hbm>> -> memref<80x64xf32, #tpu.memory_space<hbm>>
      tpu.wait_dma2 semaphore(%arg14 : memref<!tpu.dma_semaphore, #tpu.memory_space<semaphore_mem>>) src(%dma_wait3A_46 : memref<80x64xf32, #tpu.memory_space<hbm>>) dst(%arg9 : memref<80x64xf32, #tpu.memory_space<vmem>>)
      "tpu.region"() ({
        %run_scoped3A_74 = tpu.sem_alloc : memref<!tpu.dma_semaphore, #tpu.memory_space<semaphore_mem>>
        %dma_start3A_75 = arith.constant 0 : i32
        %dma_start3A_76 = tpu.memref_slice %arg8[%mul3A_40, %dma_start3A_75] : memref<250x80xi32, #tpu.memory_space<vmem>> -> memref<1x80xi32, #tpu.memory_space<vmem>>
        %dma_start3A_77 = tpu.memref_squeeze %dma_start3A_76 : memref<1x80xi32, #tpu.memory_space<vmem>> -> memref<80xi32, #tpu.memory_space<vmem>>
        %dma_start3A_78 = arith.constant 0 : i32
        %dma_start3A_79 = arith.constant 0 : i32
        %dma_start3A_80 = tpu.memref_slice %arg13[%dma_start3A_78, %dma_start3A_79] : memref<10240x64xf32, #tpu.memory_space<vmem_shared>> -> memref<10240x64xf32, #tpu.memory_space<vmem_shared>>
        tpu.enqueue_indirect_dma source(%arg9 : memref<80x64xf32, #tpu.memory_space<vmem>>) target(%dma_start3A_80 : memref<10240x64xf32, #tpu.memory_space<vmem_shared>>) offsets(%dma_start3A_77 : memref<80xi32, #tpu.memory_space<vmem>>) semaphore(%run_scoped3A_74 : memref<!tpu.dma_semaphore, #tpu.memory_space<semaphore_mem>>) {add = true}
        %dma_wait3A_81 = arith.constant 0 : i32
        %dma_wait3A_82 = tpu.memref_slice %arg8[%mul3A_40, %dma_wait3A_81] : memref<250x80xi32, #tpu.memory_space<vmem>> -> memref<1x80xi32, #tpu.memory_space<vmem>>
        %dma_wait3A_83 = tpu.memref_squeeze %dma_wait3A_82 : memref<1x80xi32, #tpu.memory_space<vmem>> -> memref<80xi32, #tpu.memory_space<vmem>>
        %dma_wait3A_84 = arith.constant 0 : i32
        %dma_wait3A_85 = arith.constant 0 : i32
        %dma_wait3A_86 = tpu.memref_slice %arg13[%dma_wait3A_84, %dma_wait3A_85] : memref<10240x64xf32, #tpu.memory_space<vmem_shared>> -> memref<10240x64xf32, #tpu.memory_space<vmem_shared>>
        tpu.wait_indirect_dma semaphore(%run_scoped3A_74 : memref<!tpu.dma_semaphore, #tpu.memory_space<semaphore_mem>>) src(%arg9 : memref<80x64xf32, #tpu.memory_space<vmem>>) dst(%dma_wait3A_86 : memref<10240x64xf32, #tpu.memory_space<vmem_shared>>)
        tpu.yield
      }) : () -> ()
      %add3A_47 = arith.constant 2 : i32
      %add3A_48 = arith.addi %mul3A_40, %add3A_47 : i32
      %dma_start3A_49 = arith.constant 0 : i32
      %dma_start3A_50 = tpu.memref_slice %arg7[%add3A_48, %dma_start3A_49] : memref<250x80xi32, #tpu.memory_space<vmem>> -> memref<1x80xi32, #tpu.memory_space<vmem>>
      %dma_start3A_51 = tpu.memref_squeeze %dma_start3A_50 : memref<1x80xi32, #tpu.memory_space<vmem>> -> memref<80xi32, #tpu.memory_space<vmem>>
      %dma_start3A_52 = arith.constant 0 : i32
      %dma_start3A_53 = arith.constant 0 : i32
      %dma_start3A_54 = tpu.memref_slice %arg2[%dma_start3A_52, %dma_start3A_53] : memref<20000x64xf32, #tpu.memory_space<hbm>> -> memref<20000x64xf32, #tpu.memory_space<hbm>>
      tpu.enqueue_indirect_dma source(%dma_start3A_54 : memref<20000x64xf32, #tpu.memory_space<hbm>>) target(%arg9 : memref<80x64xf32, #tpu.memory_space<vmem>>) offsets(%dma_start3A_51 : memref<80xi32, #tpu.memory_space<vmem>>) semaphore(%arg14 : memref<!tpu.dma_semaphore, #tpu.memory_space<semaphore_mem>>)
      %mul3A_55 = arith.constant 2 : i32
      %mul3A_56 = arith.muli %mul3A_55, %scan3A_37 : i32
      %add3A_57 = arith.constant 1 : i32
      %add3A_58 = arith.addi %mul3A_56, %add3A_57 : i32
      %dma_wait3A_59 = arith.constant 0 : i32
      %dma_wait3A_60 = arith.constant 0 : i32
      %dma_wait3A_61 = tpu.memref_slice %arg2[%dma_wait3A_59, %dma_wait3A_60] : memref<20000x64xf32, #tpu.memory_space<hbm>> -> memref<80x64xf32, #tpu.memory_space<hbm>>
      %dma_wait3A_62 = arith.constant 0 : i32
      %dma_wait3A_63 = arith.constant 0 : i32
      %dma_wait3A_64 = tpu.memref_slice %arg2[%dma_wait3A_62, %dma_wait3A_63] : memref<20000x64xf32, #tpu.memory_space<hbm>> -> memref<80x64xf32, #tpu.memory_space<hbm>>
      tpu.wait_dma2 semaphore(%arg15 : memref<!tpu.dma_semaphore, #tpu.memory_space<semaphore_mem>>) src(%dma_wait3A_64 : memref<80x64xf32, #tpu.memory_space<hbm>>) dst(%arg10 : memref<80x64xf32, #tpu.memory_space<vmem>>)
      "tpu.region"() ({
        %run_scoped3A_74 = tpu.sem_alloc : memref<!tpu.dma_semaphore, #tpu.memory_space<semaphore_mem>>
        %dma_start3A_75 = arith.constant 0 : i32
        %dma_start3A_76 = tpu.memref_slice %arg8[%add3A_58, %dma_start3A_75] : memref<250x80xi32, #tpu.memory_space<vmem>> -> memref<1x80xi32, #tpu.memory_space<vmem>>
        %dma_start3A_77 = tpu.memref_squeeze %dma_start3A_76 : memref<1x80xi32, #tpu.memory_space<vmem>> -> memref<80xi32, #tpu.memory_space<vmem>>
        %dma_start3A_78 = arith.constant 0 : i32
        %dma_start3A_79 = arith.constant 0 : i32
        %dma_start3A_80 = tpu.memref_slice %arg13[%dma_start3A_78, %dma_start3A_79] : memref<10240x64xf32, #tpu.memory_space<vmem_shared>> -> memref<10240x64xf32, #tpu.memory_space<vmem_shared>>
        tpu.enqueue_indirect_dma source(%arg10 : memref<80x64xf32, #tpu.memory_space<vmem>>) target(%dma_start3A_80 : memref<10240x64xf32, #tpu.memory_space<vmem_shared>>) offsets(%dma_start3A_77 : memref<80xi32, #tpu.memory_space<vmem>>) semaphore(%run_scoped3A_74 : memref<!tpu.dma_semaphore, #tpu.memory_space<semaphore_mem>>) {add = true}
        %dma_wait3A_81 = arith.constant 0 : i32
        %dma_wait3A_82 = tpu.memref_slice %arg8[%add3A_58, %dma_wait3A_81] : memref<250x80xi32, #tpu.memory_space<vmem>> -> memref<1x80xi32, #tpu.memory_space<vmem>>
        %dma_wait3A_83 = tpu.memref_squeeze %dma_wait3A_82 : memref<1x80xi32, #tpu.memory_space<vmem>> -> memref<80xi32, #tpu.memory_space<vmem>>
        %dma_wait3A_84 = arith.constant 0 : i32
        %dma_wait3A_85 = arith.constant 0 : i32
        %dma_wait3A_86 = tpu.memref_slice %arg13[%dma_wait3A_84, %dma_wait3A_85] : memref<10240x64xf32, #tpu.memory_space<vmem_shared>> -> memref<10240x64xf32, #tpu.memory_space<vmem_shared>>
        tpu.wait_indirect_dma semaphore(%run_scoped3A_74 : memref<!tpu.dma_semaphore, #tpu.memory_space<semaphore_mem>>) src(%arg10 : memref<80x64xf32, #tpu.memory_space<vmem>>) dst(%dma_wait3A_86 : memref<10240x64xf32, #tpu.memory_space<vmem_shared>>)
        tpu.yield
      }) : () -> ()
      %add3A_65 = arith.constant 2 : i32
      %add3A_66 = arith.addi %add3A_58, %add3A_65 : i32
      %dma_start3A_67 = arith.constant 0 : i32
      %dma_start3A_68 = tpu.memref_slice %arg7[%add3A_66, %dma_start3A_67] : memref<250x80xi32, #tpu.memory_space<vmem>> -> memref<1x80xi32, #tpu.memory_space<vmem>>
      %dma_start3A_69 = tpu.memref_squeeze %dma_start3A_68 : memref<1x80xi32, #tpu.memory_space<vmem>> -> memref<80xi32, #tpu.memory_space<vmem>>
      %dma_start3A_70 = arith.constant 0 : i32
      %dma_start3A_71 = arith.constant 0 : i32
      %dma_start3A_72 = tpu.memref_slice %arg2[%dma_start3A_70, %dma_start3A_71] : memref<20000x64xf32, #tpu.memory_space<hbm>> -> memref<20000x64xf32, #tpu.memory_space<hbm>>
      tpu.enqueue_indirect_dma source(%dma_start3A_72 : memref<20000x64xf32, #tpu.memory_space<hbm>>) target(%arg10 : memref<80x64xf32, #tpu.memory_space<vmem>>) offsets(%dma_start3A_69 : memref<80xi32, #tpu.memory_space<vmem>>) semaphore(%arg15 : memref<!tpu.dma_semaphore, #tpu.memory_space<semaphore_mem>>)
      %scan3A_73 = arith.constant 0 : i32
      scf.yield %scan3A_73 : i32
    }
    %scan3A_19 = arith.constant 124 : i32
    %dma_wait3A = arith.constant 0 : i32
    %dma_wait3A_20 = arith.constant 0 : i32
    %dma_wait3A_21 = tpu.memref_slice %arg2[%dma_wait3A, %dma_wait3A_20] : memref<20000x64xf32, #tpu.memory_space<hbm>> -> memref<80x64xf32, #tpu.memory_space<hbm>>
    %dma_wait3A_22 = arith.constant 0 : i32
    %dma_wait3A_23 = arith.constant 0 : i32
    %dma_wait3A_24 = tpu.memref_slice %arg2[%dma_wait3A_22, %dma_wait3A_23] : memref<20000x64xf32, #tpu.memory_space<hbm>> -> memref<80x64xf32, #tpu.memory_space<hbm>>
    tpu.wait_dma2 semaphore(%arg14 : memref<!tpu.dma_semaphore, #tpu.memory_space<semaphore_mem>>) src(%dma_wait3A_24 : memref<80x64xf32, #tpu.memory_space<hbm>>) dst(%arg9 : memref<80x64xf32, #tpu.memory_space<vmem>>)
    %run_scoped3A = arith.constant 248 : i32
    "tpu.region"() ({
      %run_scoped3A_37 = tpu.sem_alloc : memref<!tpu.dma_semaphore, #tpu.memory_space<semaphore_mem>>
      %dma_start3A_38 = arith.constant 0 : i32
      %dma_start3A_39 = tpu.memref_slice %arg8[%run_scoped3A, %dma_start3A_38] : memref<250x80xi32, #tpu.memory_space<vmem>> -> memref<1x80xi32, #tpu.memory_space<vmem>>
      %dma_start3A_40 = tpu.memref_squeeze %dma_start3A_39 : memref<1x80xi32, #tpu.memory_space<vmem>> -> memref<80xi32, #tpu.memory_space<vmem>>
      %dma_start3A_41 = arith.constant 0 : i32
      %dma_start3A_42 = arith.constant 0 : i32
      %dma_start3A_43 = tpu.memref_slice %arg13[%dma_start3A_41, %dma_start3A_42] : memref<10240x64xf32, #tpu.memory_space<vmem_shared>> -> memref<10240x64xf32, #tpu.memory_space<vmem_shared>>
      tpu.enqueue_indirect_dma source(%arg9 : memref<80x64xf32, #tpu.memory_space<vmem>>) target(%dma_start3A_43 : memref<10240x64xf32, #tpu.memory_space<vmem_shared>>) offsets(%dma_start3A_40 : memref<80xi32, #tpu.memory_space<vmem>>) semaphore(%run_scoped3A_37 : memref<!tpu.dma_semaphore, #tpu.memory_space<semaphore_mem>>) {add = true}
      %dma_wait3A_44 = arith.constant 0 : i32
      %dma_wait3A_45 = tpu.memref_slice %arg8[%run_scoped3A, %dma_wait3A_44] : memref<250x80xi32, #tpu.memory_space<vmem>> -> memref<1x80xi32, #tpu.memory_space<vmem>>
      %dma_wait3A_46 = tpu.memref_squeeze %dma_wait3A_45 : memref<1x80xi32, #tpu.memory_space<vmem>> -> memref<80xi32, #tpu.memory_space<vmem>>
      %dma_wait3A_47 = arith.constant 0 : i32
      %dma_wait3A_48 = arith.constant 0 : i32
      %dma_wait3A_49 = tpu.memref_slice %arg13[%dma_wait3A_47, %dma_wait3A_48] : memref<10240x64xf32, #tpu.memory_space<vmem_shared>> -> memref<10240x64xf32, #tpu.memory_space<vmem_shared>>
      tpu.wait_indirect_dma semaphore(%run_scoped3A_37 : memref<!tpu.dma_semaphore, #tpu.memory_space<semaphore_mem>>) src(%arg9 : memref<80x64xf32, #tpu.memory_space<vmem>>) dst(%dma_wait3A_49 : memref<10240x64xf32, #tpu.memory_space<vmem_shared>>)
      tpu.yield
    }) : () -> ()
    %dma_wait3A_25 = arith.constant 0 : i32
    %dma_wait3A_26 = arith.constant 0 : i32
    %dma_wait3A_27 = tpu.memref_slice %arg2[%dma_wait3A_25, %dma_wait3A_26] : memref<20000x64xf32, #tpu.memory_space<hbm>> -> memref<80x64xf32, #tpu.memory_space<hbm>>
    %dma_wait3A_28 = arith.constant 0 : i32
    %dma_wait3A_29 = arith.constant 0 : i32
    %dma_wait3A_30 = tpu.memref_slice %arg2[%dma_wait3A_28, %dma_wait3A_29] : memref<20000x64xf32, #tpu.memory_space<hbm>> -> memref<80x64xf32, #tpu.memory_space<hbm>>
    tpu.wait_dma2 semaphore(%arg15 : memref<!tpu.dma_semaphore, #tpu.memory_space<semaphore_mem>>) src(%dma_wait3A_30 : memref<80x64xf32, #tpu.memory_space<hbm>>) dst(%arg10 : memref<80x64xf32, #tpu.memory_space<vmem>>)
    %run_scoped3A_31 = arith.constant 249 : i32
    "tpu.region"() ({
      %run_scoped3A_37 = tpu.sem_alloc : memref<!tpu.dma_semaphore, #tpu.memory_space<semaphore_mem>>
      %dma_start3A_38 = arith.constant 0 : i32
      %dma_start3A_39 = tpu.memref_slice %arg8[%run_scoped3A_31, %dma_start3A_38] : memref<250x80xi32, #tpu.memory_space<vmem>> -> memref<1x80xi32, #tpu.memory_space<vmem>>
      %dma_start3A_40 = tpu.memref_squeeze %dma_start3A_39 : memref<1x80xi32, #tpu.memory_space<vmem>> -> memref<80xi32, #tpu.memory_space<vmem>>
      %dma_start3A_41 = arith.constant 0 : i32
      %dma_start3A_42 = arith.constant 0 : i32
      %dma_start3A_43 = tpu.memref_slice %arg13[%dma_start3A_41, %dma_start3A_42] : memref<10240x64xf32, #tpu.memory_space<vmem_shared>> -> memref<10240x64xf32, #tpu.memory_space<vmem_shared>>
      tpu.enqueue_indirect_dma source(%arg10 : memref<80x64xf32, #tpu.memory_space<vmem>>) target(%dma_start3A_43 : memref<10240x64xf32, #tpu.memory_space<vmem_shared>>) offsets(%dma_start3A_40 : memref<80xi32, #tpu.memory_space<vmem>>) semaphore(%run_scoped3A_37 : memref<!tpu.dma_semaphore, #tpu.memory_space<semaphore_mem>>) {add = true}
      %dma_wait3A_44 = arith.constant 0 : i32
      %dma_wait3A_45 = tpu.memref_slice %arg8[%run_scoped3A_31, %dma_wait3A_44] : memref<250x80xi32, #tpu.memory_space<vmem>> -> memref<1x80xi32, #tpu.memory_space<vmem>>
      %dma_wait3A_46 = tpu.memref_squeeze %dma_wait3A_45 : memref<1x80xi32, #tpu.memory_space<vmem>> -> memref<80xi32, #tpu.memory_space<vmem>>
      %dma_wait3A_47 = arith.constant 0 : i32
      %dma_wait3A_48 = arith.constant 0 : i32
      %dma_wait3A_49 = tpu.memref_slice %arg13[%dma_wait3A_47, %dma_wait3A_48] : memref<10240x64xf32, #tpu.memory_space<vmem_shared>> -> memref<10240x64xf32, #tpu.memory_space<vmem_shared>>
      tpu.wait_indirect_dma semaphore(%run_scoped3A_37 : memref<!tpu.dma_semaphore, #tpu.memory_space<semaphore_mem>>) src(%arg10 : memref<80x64xf32, #tpu.memory_space<vmem>>) dst(%dma_wait3A_49 : memref<10240x64xf32, #tpu.memory_space<vmem_shared>>)
      tpu.yield
    }) : () -> ()
    %barrier3A_32 = arith.constant 0 : index
    tpu.barrier barrier_id(%barrier3A_32)
    %mul3A_33 = arith.constant 640 : i32
    %mul3A_34 = arith.muli %arg1, %mul3A_33 : i32
    %mul3A_35 = arith.constant 10240 : i32
    %mul3A_36 = arith.muli %arg0, %mul3A_35 : i32
    %add3A = arith.addi %mul3A_36, %mul3A_34 : i32
    "tpu.region"() ({
      %run_scoped3A_37 = tpu.sem_alloc : memref<!tpu.dma_semaphore, #tpu.memory_space<semaphore_mem>>
      %dma_start3A_38 = arith.constant 0 : i32
      %dma_start3A_39 = tpu.memref_slice %arg6[%add3A, %dma_start3A_38] : memref<20480x64xf32, #tpu.memory_space<hbm>> -> memref<640x64xf32, #tpu.memory_space<hbm>>
      %dma_start3A_40 = arith.constant 0 : i32
      %dma_start3A_41 = tpu.memref_slice %arg13[%mul3A_34, %dma_start3A_40] : memref<10240x64xf32, #tpu.memory_space<vmem_shared>> -> memref<640x64xf32, #tpu.memory_space<vmem_shared>>
      tpu.enqueue_dma source(%dma_start3A_41 : memref<640x64xf32, #tpu.memory_space<vmem_shared>>) target(%dma_start3A_39 : memref<640x64xf32, #tpu.memory_space<hbm>>) target_semaphore(%run_scoped3A_37 : memref<!tpu.dma_semaphore, #tpu.memory_space<semaphore_mem>>)
      %dma_wait3A_42 = arith.constant 0 : i32
      %dma_wait3A_43 = tpu.memref_slice %arg6[%add3A, %dma_wait3A_42] : memref<20480x64xf32, #tpu.memory_space<hbm>> -> memref<640x64xf32, #tpu.memory_space<hbm>>
      %dma_wait3A_44 = arith.constant 0 : i32
      %dma_wait3A_45 = tpu.memref_slice %arg13[%mul3A_34, %dma_wait3A_44] : memref<10240x64xf32, #tpu.memory_space<vmem_shared>> -> memref<640x64xf32, #tpu.memory_space<vmem_shared>>
      tpu.wait_dma2 semaphore(%run_scoped3A_37 : memref<!tpu.dma_semaphore, #tpu.memory_space<semaphore_mem>>) src(%dma_wait3A_45 : memref<640x64xf32, #tpu.memory_space<vmem_shared>>) dst(%dma_wait3A_43 : memref<640x64xf32, #tpu.memory_space<hbm>>)
      tpu.yield
    }) : () -> ()
    return
  }
}

module attributes {stable_mosaic.version = 14 : i64} {
  func.func @body(%arg0: i32, %arg1: memref<1000x128xf32, #tpu.memory_space<vmem>>, %arg2: memref<2x1000x64xf32, #tpu.memory_space<vmem>>, %arg3: memref<1000x1xf32, #tpu.memory_space<vmem>>, %arg4: memref<1000x1xf32, #tpu.memory_space<vmem>>, %arg5: memref<128x256xf32, #tpu.memory_space<vmem>>, %arg6: memref<64x256xf32, #tpu.memory_space<vmem>>, %arg7: memref<64x256xf32, #tpu.memory_space<vmem>>, %arg8: memref<1x256xf32, #tpu.memory_space<vmem>>, %arg9: memref<1000x128xf32, #tpu.memory_space<vmem>>) attributes {dimension_semantics = [#tpu.dimension_semantics<arbitrary>], iteration_bounds = array<i64: 10>, scalar_prefetch = 0 : i64, scratch_operands = 0 : i64, tpu.core_type = #tpu.core_type<tc>, window_params = [{transform_indices = @transform_0, window_bounds = array<i64: 1000, 128>}, {transform_indices = @transform_1, window_bounds = array<i64: 2, 1000, 64>}, {transform_indices = @transform_2, window_bounds = array<i64: 1000, 1>}, {transform_indices = @transform_3, window_bounds = array<i64: 1000, 1>}, {pipeline_mode = #tpu.pipeline_mode<synchronous>, transform_indices = @transform_4, window_bounds = array<i64: 128, 256>}, {pipeline_mode = #tpu.pipeline_mode<synchronous>, transform_indices = @transform_5, window_bounds = array<i64: 64, 256>}, {pipeline_mode = #tpu.pipeline_mode<synchronous>, transform_indices = @transform_6, window_bounds = array<i64: 64, 256>}, {pipeline_mode = #tpu.pipeline_mode<synchronous>, transform_indices = @transform_7, window_bounds = array<i64: 1, 256>}, {transform_indices = @transform_8, window_bounds = array<i64: 1000, 128>}]} {
    %get3A = arith.constant 0 : index
    %get3A_0 = arith.constant 0 : index
    %get3A_1 = vector.load %arg1[%get3A, %get3A_0] : memref<1000x128xf32, #tpu.memory_space<vmem>>, vector<1000x128xf32>
    %get3A_2 = arith.constant 0 : index
    %get3A_3 = arith.constant 0 : index
    %get3A_4 = vector.load %arg5[%get3A_2, %get3A_3] : memref<128x256xf32, #tpu.memory_space<vmem>>, vector<128x256xf32>
    %dot_general3A = arith.constant dense<0.000000e+00> : vector<1000x256xf32>
    %dot_general3A_5 = tpu.matmul %get3A_1, %get3A_4, %dot_general3A {dimension_numbers = #tpu.dot_dimension_numbers<[1], [0], [0], [1], [0, 0, 1, 1], [], []>, precision = #tpu.contract_precision<fp32>, transpose_lhs_hint = false} : vector<1000x128xf32>, vector<128x256xf32>, vector<1000x256xf32> -> vector<1000x256xf32>
    %get3A_6 = arith.constant 0 : index
    %get3A_7 = arith.constant 0 : index
    %get3A_8 = arith.constant 0 : index
    %get3A_9 = vector.load %arg2[%get3A_6, %get3A_7, %get3A_8] : memref<2x1000x64xf32, #tpu.memory_space<vmem>>, vector<1x1000x64xf32>
    %get3A_10 = vector.shape_cast %get3A_9 : vector<1x1000x64xf32> to vector<1000x64xf32>
    %get3A_11 = arith.constant 0 : index
    %get3A_12 = arith.constant 0 : index
    %get3A_13 = vector.load %arg6[%get3A_11, %get3A_12] : memref<64x256xf32, #tpu.memory_space<vmem>>, vector<64x256xf32>
    %dot_general3A_14 = arith.constant dense<0.000000e+00> : vector<1000x256xf32>
    %dot_general3A_15 = tpu.matmul %get3A_10, %get3A_13, %dot_general3A_14 {dimension_numbers = #tpu.dot_dimension_numbers<[1], [0], [0], [1], [0, 0, 1, 1], [], []>, precision = #tpu.contract_precision<fp32>, transpose_lhs_hint = false} : vector<1000x64xf32>, vector<64x256xf32>, vector<1000x256xf32> -> vector<1000x256xf32>
    %add3A = arith.addf %dot_general3A_5, %dot_general3A_15 : vector<1000x256xf32>
    %get3A_16 = arith.constant 1 : index
    %get3A_17 = arith.constant 0 : index
    %get3A_18 = arith.constant 0 : index
    %get3A_19 = vector.load %arg2[%get3A_16, %get3A_17, %get3A_18] : memref<2x1000x64xf32, #tpu.memory_space<vmem>>, vector<1x1000x64xf32>
    %get3A_20 = vector.shape_cast %get3A_19 : vector<1x1000x64xf32> to vector<1000x64xf32>
    %get3A_21 = arith.constant 0 : index
    %get3A_22 = arith.constant 0 : index
    %get3A_23 = vector.load %arg7[%get3A_21, %get3A_22] : memref<64x256xf32, #tpu.memory_space<vmem>>, vector<64x256xf32>
    %dot_general3A_24 = arith.constant dense<0.000000e+00> : vector<1000x256xf32>
    %dot_general3A_25 = tpu.matmul %get3A_20, %get3A_23, %dot_general3A_24 {dimension_numbers = #tpu.dot_dimension_numbers<[1], [0], [0], [1], [0, 0, 1, 1], [], []>, precision = #tpu.contract_precision<fp32>, transpose_lhs_hint = false} : vector<1000x64xf32>, vector<64x256xf32>, vector<1000x256xf32> -> vector<1000x256xf32>
    %add3A_26 = arith.addf %add3A, %dot_general3A_25 : vector<1000x256xf32>
    %get3A_27 = arith.constant 0 : index
    %get3A_28 = arith.constant 0 : index
    %get3A_29 = vector.load %arg8[%get3A_27, %get3A_28] : memref<1x256xf32, #tpu.memory_space<vmem>>, vector<1x256xf32>
    %add3A_30 = vector.broadcast %get3A_29 : vector<1x256xf32> to vector<1000x256xf32>
    %add3A_31 = arith.addf %add3A_26, %add3A_30 : vector<1000x256xf32>
    %get3A_32 = arith.constant 0 : index
    %get3A_33 = arith.constant 0 : index
    %get3A_34 = vector.load %arg3[%get3A_32, %get3A_33] : memref<1000x1xf32, #tpu.memory_space<vmem>>, vector<1000x1xf32>
    %slice3A = vector.extract_strided_slice %add3A_31 {offsets = [0, 0], sizes = [1000, 128], strides = [1, 1]} : vector<1000x256xf32> to vector<1000x128xf32>
    %mul3A = vector.broadcast %get3A_34 : vector<1000x1xf32> to vector<1000x128xf32>
    %mul3A_35 = arith.mulf %mul3A, %slice3A : vector<1000x128xf32>
    %get3A_36 = arith.constant 0 : index
    %get3A_37 = arith.constant 0 : index
    %get3A_38 = vector.load %arg4[%get3A_36, %get3A_37] : memref<1000x1xf32, #tpu.memory_space<vmem>>, vector<1000x1xf32>
    %slice3A_39 = vector.extract_strided_slice %add3A_31 {offsets = [0, 128], sizes = [1000, 128], strides = [1, 1]} : vector<1000x256xf32> to vector<1000x128xf32>
    %mul3A_40 = vector.broadcast %get3A_38 : vector<1000x1xf32> to vector<1000x128xf32>
    %mul3A_41 = arith.mulf %mul3A_40, %slice3A_39 : vector<1000x128xf32>
    %add3A_42 = arith.addf %mul3A_35, %mul3A_41 : vector<1000x128xf32>
    %swap3A = arith.constant 0 : index
    %swap3A_43 = arith.constant 0 : index
    %swap3A_44 = vector.load %arg9[%swap3A, %swap3A_43] : memref<1000x128xf32, #tpu.memory_space<vmem>>, vector<1000x128xf32>
    tpu.vector_store %arg9[%swap3A, %swap3A_43], %add3A_42 {strides = array<i32>} : memref<1000x128xf32, #tpu.memory_space<vmem>>, vector<1000x128xf32>,
    return
  }
  func.func @transform_0(%arg0: i32) -> (i32, i32) {
    %c0_i32 = arith.constant 0 : i32
    %c0_i32_0 = arith.constant 0 : i32
    return %arg0, %c0_i32 : i32, i32
  }
  func.func @transform_1(%arg0: i32) -> (i32, i32, i32) {
    %c0_i32 = arith.constant 0 : i32
    %c0_i32_0 = arith.constant 0 : i32
    %c0_i32_1 = arith.constant 0 : i32
    return %c0_i32, %arg0, %c0_i32_0 : i32, i32, i32
  }
  func.func @transform_2(%arg0: i32) -> (i32, i32) {
    %c0_i32 = arith.constant 0 : i32
    %c0_i32_0 = arith.constant 0 : i32
    return %arg0, %c0_i32 : i32, i32
  }
  func.func @transform_3(%arg0: i32) -> (i32, i32) {
    %c0_i32 = arith.constant 0 : i32
    %c0_i32_0 = arith.constant 0 : i32
    return %arg0, %c0_i32 : i32, i32
  }
  func.func @transform_4(%arg0: i32) -> (i32, i32) {
    %c0_i32 = arith.constant 0 : i32
    %c0_i32_0 = arith.constant 0 : i32
    %c0_i32_1 = arith.constant 0 : i32
    return %c0_i32, %c0_i32_0 : i32, i32
  }
  func.func @transform_5(%arg0: i32) -> (i32, i32) {
    %c0_i32 = arith.constant 0 : i32
    %c0_i32_0 = arith.constant 0 : i32
    %c0_i32_1 = arith.constant 0 : i32
    return %c0_i32, %c0_i32_0 : i32, i32
  }
  func.func @transform_6(%arg0: i32) -> (i32, i32) {
    %c0_i32 = arith.constant 0 : i32
    %c0_i32_0 = arith.constant 0 : i32
    %c0_i32_1 = arith.constant 0 : i32
    return %c0_i32, %c0_i32_0 : i32, i32
  }
  func.func @transform_7(%arg0: i32) -> (i32, i32) {
    %c0_i32 = arith.constant 0 : i32
    %c0_i32_0 = arith.constant 0 : i32
    %c0_i32_1 = arith.constant 0 : i32
    return %c0_i32, %c0_i32_0 : i32, i32
  }
  func.func @transform_8(%arg0: i32) -> (i32, i32) {
    %c0_i32 = arith.constant 0 : i32
    %c0_i32_0 = arith.constant 0 : i32
    return %arg0, %c0_i32 : i32, i32
  }
}

</mosaic_0001>

<sc_bundles>
// kernel: kernel.4.cloned.1.call-start
scs
__scs_entry_jumppad:
0x0: {  	(pc) =	sbr.rel $0x88, $3  }
0x1: {  	(tag) =	ssettag $0x0;
	lr =	simm.s32 $0x1  }
0x2: {  	[smem:$0x3F99] =	sst lr;
	_ =	strace $0xD0000000  }
0x3: {  	_ = 	snop  }
0x4: {  	_ = 	snop  }
0x5: {  	_ = 	snop  }
0x6: {  	_ = 	snop  }
0x7: {  	_ = 	snop  }
__scs_overlays_trampoline_lowered:
0x8: {  	[smem:$0x3FA8] =	sst s0  }
0x9: {  	[smem:$0x3FA9] =	sst s1  }
0xa: {  	[smem:$0x3FAA] =	sst s2  }
0xb: {  	[smem:$0x3FAB] =	sst s3  }
0xc: {  	[smem:$0x3FAC] =	sst s4  }
0xd: {  	[smem:$0x3FAD] =	sst s5  }
0xe: {  	[smem:$0x3FAE] =	sst s6  }
0xf: {  	[smem:$0x3FAF] =	sst s7  }
0x10: {  	[smem:$0x3FB0] =	sst s8  }
0x11: {  	[smem:$0x3FB1] =	sst s9;
	s0 =	simm.s32 @!p0 $0x0  }
0x12: {  	s1 =	sld [smem:$0x3F97];
	s0 =	simm.s32 @p0 $0x1  }
0x13: {  	[smem:$0x3FB2] =	sst s0;
	s0 =	simm.s32 @!p1 $0x0  }
0x14: {  	s2 =	sld [smem:$0x3F96];
	s0 =	simm.s32 @p1 $0x1  }
0x15: {  	[smem:$0x3FB3] =	sst s0;
	s0 =	simm.s32 @!p2 $0x0  }
0x16: {  	s3 =	sld [smem:$0x3FDB];
	s0 =	simm.s32 @p2 $0x1  }
0x17: {  	s4 =	simm.s32 $0x1BF5;
	[smem:$0x3FB5] =	sst s0  }
0x18: {  	s0 =	sld [smem:$0x3F98];
	_ =	swait.ge [sflag:s4], $0x0  }
0x19: {  	s7 =	sld [smem:$0x3F99]  }
0x1a: {  	s8 =	sadd.s32 $0xFFFFE003, lr  }
0x1b: {  	s9 =	sadd.s32 $0xFFFFFEF7, lr;
	s5 =	simm.s32 $0xFFFFFFFF;
	p2 =	slt.u32 s8, $0xFFFFF086  }
0x1c: {  	p1 =	slt.u32 s9, $0xF7A;
	s5 =	simm.s32 @!p2 $0x0  }
0x1d: {  	s5 =	simm.s32 @p1 $0x1;
	p0 =	seq.s32 s7, s2  }
0x1e: {  	s7 =	smul.u32 @!p0 $0xF7A, s2;
	p2 =	seq.s32 @!p0 s5, $0x0  }
0x1f: {  	s9 =	smul.u32 $0xF7A, s1;
	s8 =	simm.s32 @!p0 $0x1BF5;
	p2 =	por !p2, p0  }
0x20: {  	[sflag:s8] =	ssyncset.s32 @!p0 $0xFFFFF086;
	s6 =	sadd.s32 @!p0 s3, s7;
	s7 =	simm.s32 @!p0 $0x108  }
0x21: {  	s3 =	sadd.s32 s3, s9;
	s6 =	sadd.s32 @!p0 $0x88, s6;
	s7 =	simm.s32 @p2 $0x1082  }
0x22: {  	[simem:s7], [sflag:s8] =	dma.local @!p0 [hbm:s6], $0xF7A  }
0x23: {  	s9 =	sor.u32 $0xD0000000, s2;
	s6 =	simm.s32 $0x108;
	_ =	swait.ge @!p0 [sflag:s8], $0x0  }
0x24: {  	s3 =	sadd.s32 $0x88, s3;
	s6 =	simm.s32 @!p1 $0x1082;
	[sflag:s4] =	ssyncset.s32 $0xFFFFF086  }
0x25: {  	[simem:s6], [sflag:s4] =	dma.local [hbm:s3], $0xF7A  }
0x26: {  	[smem:$0x3F99] =	sst s1;
	(tag) =	ssettag s2;
	_ =	strace s9  }
0x27: {  	s1 =	sld [smem:$0x3FA9]  }
0x28: {  	s2 =	sld [smem:$0x3FAA]  }
0x29: {  	s4 =	sld [smem:$0x3FAC]  }
0x2a: {  	p0 =	seq.s32 s5, $0x0;
	s5 =	sld [smem:$0x3FAD]  }
0x2b: {  	s6 =	sld [smem:$0x3FAE]  }
0x2c: {  	s7 =	sld [smem:$0x3FAF]  }
0x2d: {  	s3 =	simm.s32 $0x108;
	s8 =	sld [smem:$0x3FB0]  }
0x2e: {  	s3 =	simm.s32 @!p0 $0x1082;
	s9 =	sld [smem:$0x3FB1]  }
0x2f: {  	lr =	sadd.s32 s0, s3;
	s0 =	sld [smem:$0x3FA8]  }
0x30: {  	s3 =	sld [smem:$0x3FAB]  }
0x31: {  	[smem:$0x3FB4] =	sst s10  }
0x32: {  	s10 =	sld [smem:$0x3FB2];
	_ =	sdelay $0x3  }
0x33: {  	p0 =	seq.s32 s10, $0x1;
	s10 =	sld [smem:$0x3FB4];
	_ =	sdelay $0x3  }
0x34: {  	[smem:$0x3FB4] =	sst s10  }
0x35: {  	s10 =	sld [smem:$0x3FB3];
	_ =	sdelay $0x3  }
0x36: {  	p1 =	seq.s32 s10, $0x1;
	s10 =	sld [smem:$0x3FB4];
	_ =	sdelay $0x3  }
0x37: {  	[smem:$0x3FB4] =	sst s10  }
0x38: {  	s10 =	sld [smem:$0x3FB5]  }
0x39: {  	_ = 	snop;
	(pc) =	sbr.ind lr, $3  }
0x3a: {  	_ = 	snop  }
0x3b: {  	_ = 	snop  }
0x3c: {  	p2 =	seq.s32 s10, $0x1;
	s10 =	sld [smem:$0x3FB4]  }
0x3d: {  	_ =	shalt  }
0x3e: {  	_ =	shalt  }
0x3f: {  	_ =	shalt  }
0x40: {  	_ =	shalt  }
0x41: {  	_ =	shalt  }
0x42: {  	_ =	shalt  }
0x43: {  	_ =	shalt  }
0x44: {  	_ =	shalt  }
0x45: {  	_ =	shalt  }
0x46: {  	_ =	shalt  }
0x47: {  	_ =	shalt  }
0x48: {  	_ =	shalt  }
0x49: {  	_ =	shalt  }
0x4a: {  	_ =	shalt  }
0x4b: {  	_ =	shalt  }
0x4c: {  	_ =	shalt  }
0x4d: {  	_ =	shalt  }
0x4e: {  	_ =	shalt  }
0x4f: {  	_ =	shalt  }
0x50: {  	_ =	shalt  }
0x51: {  	_ =	shalt  }
0x52: {  	_ =	shalt  }
0x53: {  	_ =	shalt  }
0x54: {  	_ =	shalt  }
0x55: {  	_ =	shalt  }
0x56: {  	_ =	shalt  }
0x57: {  	_ =	shalt  }
0x58: {  	_ =	shalt  }
0x59: {  	_ =	shalt  }
0x5a: {  	_ =	shalt  }
0x5b: {  	_ =	shalt  }
0x5c: {  	_ =	shalt  }
0x5d: {  	_ =	shalt  }
0x5e: {  	_ =	shalt  }
0x5f: {  	_ =	shalt  }
0x60: {  	_ =	shalt  }
0x61: {  	_ =	shalt  }
0x62: {  	_ =	shalt  }
0x63: {  	_ =	shalt  }
0x64: {  	_ =	shalt  }
0x65: {  	_ =	shalt  }
0x66: {  	_ =	shalt  }
0x67: {  	_ =	shalt  }
0x68: {  	_ =	shalt  }
0x69: {  	_ =	shalt  }
0x6a: {  	_ =	shalt  }
0x6b: {  	_ =	shalt  }
0x6c: {  	_ =	shalt  }
0x6d: {  	_ =	shalt  }
0x6e: {  	_ =	shalt  }
0x6f: {  	_ =	shalt  }
0x70: {  	_ =	shalt  }
0x71: {  	_ =	shalt  }
0x72: {  	_ =	shalt  }
0x73: {  	_ =	shalt  }
0x74: {  	_ =	shalt  }
0x75: {  	_ =	shalt  }
0x76: {  	_ =	shalt  }
0x77: {  	_ =	shalt  }
0x78: {  	_ =	shalt  }
0x79: {  	_ =	shalt  }
0x7a: {  	_ =	shalt  }
0x7b: {  	_ =	shalt  }
0x7c: {  	_ =	shalt  }
0x7d: {  	_ =	shalt  }
0x7e: {  	_ =	shalt  }
0x7f: {  	_ =	shalt  }
0x80: {  	_ =	shalt  }
0x81: {  	_ =	shalt  }
0x82: {  	_ =	shalt  }
0x83: {  	_ =	shalt  }
0x84: {  	_ =	shalt  }
0x85: {  	_ =	shalt  }
0x86: {  	_ =	shalt  }
0x87: {  	_ =	shalt  }
.Lfunc_end0:
.L_simem_size_0:
called_computation_lowered:
.L_overlay_start_0:
0x88: {  	s2 =	sld [smem:$0x3FD9]  }
0x89: {  	s3 =	sld [smem:$0x3FFE];
	_ =	sdelay $0x1  }
0x8a: {  	s1 =	srdreg.scid  }
0x8b: {  	s0 =	sand.u32 $0x1, s1  }
0x8c: {  	s17 =	sshll.u32 s0, $0xA;
	s2 =	sadd.s32 s3, s2  }
0x8d: {  	s2 =	sadd.s32 s2, s17  }
0x8e: {  	[smem:$0x3FC0] =	sst s2  }
0x8f: {  	_ = 	snop  }
0x90: {  	s2 =	sld [smem:$0x3FD0];
	(tm) =	ssettm $0x1  }
0x91: {  	s18 =	sld [smem:$0x3FFB];
	_ =	sdelay $0x3  }
0x92: {  	_ =	strace s18  }
0x93: {  	s3 =	sld [smem:$0x3FFC];
	_ =	sdelay $0x3  }
0x94: {  	_ =	strace s3  }
0x95: {  	s3 =	sld [smem:$0x3FFD];
	_ =	sdelay $0x3  }
0x96: {  	_ =	strace s3  }
0x97: {  	_ =	strace $0x8FFFFFFF  }
0x98: {  	s19 =	sld [smem:$0x3FDB];
	_ =	sdelay $0x1  }
0x99: {  	s4 =	simm.s32 $_scs_section_size  }
0x9a: {  	s5 =	simm.s32 $_size__tile_overlayer_lowered;
	s6 =	simm.s32 $_tile_overlayer_lowered  }
0x9b: {  	s22 =	simm.s32 $0x1BFF;
	s21 =	sshll.u32 s6, $0x1;
	s3 =	sadd.s32 s4, s19  }
0x9c: {  	s7 =	simm.s32 $0x0;
	s20 =	sshll.u32 s5, $0x1;
	s5 =	sadd.s32 s21, s3  }
0x9d: {  	[timem:s7], [sflag:s22] =	dma.local [hbm:s5], s20  }
0x9e: {  	_ =	swait.ge [sflag:s22], s20  }
0x9f: {  	s4 =	ssub.s32 $0x0, s20;
	[sflag:s22] =	ssyncset.done $0x0  }
0xa0: {  	[sflag:s22] =	ssyncadd.s32 s4;
	_ =	sdelay $0x1  }
0xa1: {  	s23 =	simm.s32 $0x1B8B  }
0xa2: {  	_ =	swait.ge [sflag:s23], $0x1  }
0xa3: {  	[sflag:s23] =	ssyncset.done $0x0  }
0xa4: {  	s25 =	simm.s32 $0x1B8E;
	s24 =	sld [smem:$0x3FFE];
	[sflag:s23] =	ssyncadd.s32 $0xFFFFFFFF  }
0xa5: {  	s26 =	simm.s32 $execute0_lowered;
	[smem:$0x3FD2] =	sst s25  }
0xa6: {  	s5 =	sshll.u32 s26, $0x1;
	_ =	strace $0x80000046;
	[dreg:$0x1] =	wrdreg $0xFFFFFFFF  }
0xa7: {  	s28 =	simm.s32 $_size_execute0_lowered;
	s3 =	sadd.s32 s3, s5;
	[dreg:$0x0] =	wrdreg $0x0  }
0xa8: {  	s5 =	sshll.u32 s28, $0x1;
	[dreg:$0x2] =	wrdreg s3  }
0xa9: {  	[dreg:$0x3] =	wrdreg s5  }
0xaa: {  	[dreg:$0x4] =	wrdreg $0xC0  }
0xab: {  	_ =	task [dreg:s7], $0x5FFFF  }
0xac: {  	[dreg:$0x1] =	wrdreg $0xFFFFFFFF  }
0xad: {  	[dreg:$0x0] =	wrdreg $0x60  }
0xae: {  	[dreg:$0x2] =	wrdreg s2  }
0xaf: {  	[dreg:$0x3] =	wrdreg s24  }
0xb0: {  	[dreg:$0x4] =	wrdreg $0xC4400  }
0xb1: {  	[dreg:$0x5] =	wrdreg $0x9  }
0xb2: {  	_ =	task.clear_ibuf [dreg:s7], $0x6FFFF;
	_ =	strace $0x90000046  }
0xb3: {  	s29 =	simm.s32 $0x9;
	_ =	strace $0x80000048  }
0xb4: {  	_ =	swait.ge [sflag:s29], $0x1  }
0xb5: {  	[sflag:s29] =	ssyncadd.s32 $0xFFFFFFFF  }
0xb6: {  	_ =	strace $0x90000048  }
0xb7: {  	_ =	sfence  }
0xb8: {  	s30 =	sld [smem:$0x0];
	_ =	sdelay $0x2  }
0xb9: {  	s31 =	sshll.u32 s1, $0xD;
	s1 =	sshrl.u32 s1, $0x2  }
0xba: {  	s3 =	sand.u32 $0x4000, s31;
	s1 =	sadd.s32 s1, s30  }
0xbb: {  	s0 =	sor.u32 s3, s0;
	s1 =	sshll.u32 s1, $0x11  }
0xbc: {  	s0 =	sor.u32 s1, s0  }
0xbd: {  	s0 =	sadd.s32 $0x8F2B, s0  }
0xbe: {  	[sflag:s0] =	ssyncadd.remote.s32 $0x1  }
0xbf: {  	_ =	sfence.sel $0xFFFF  }
0xc0: {  	[dreg:$0x0] =	wrdreg $0xFFFFFFFF;
	(pc) =	sbr.abs _section_cstart, $3  }
0xc1: {  	[dreg:$0x1] =	wrdreg $0xFFFFFFFF  }
0xc2: {  	_ =	task.clear_ibuf [dreg:s7], $0x2FFFF;
	_ =	strace $0x9FFFFFFF  }
0xc3: {  	(tm) =	ssettm $0x7FFFFFFF  }
tec
execute0_lowered:
.L_overlay_start_1:
0x0: {  	(tag) =	ssettag $0x1  }
0x1: {  	s1 =	rddreg [dreg:$0x0]  }
0x2: {  	s2 =	srdreg.scid;
	s6 =	rddreg [dreg:$0x1]  }
0x3: {  	s0 =	stileid.u32;
	s3 =	rddreg [dreg:$0x2];
	s4 =	simm.s32 $0x0  }
0x4: {  	s14 =	simm.s32 $0x50;
	s15 =	simm.s32 $0x9C40;
	s16 =	simm.s32 $0xB040  }
0x5: {  	s17 =	simm.s32 $0x1;
	s18 =	simm.s32 $0x2;
	s19 =	simm.s32 $0x9BA0  }
0x6: {  	s20 =	simm.s32 $0x9BF0;
	s21 =	simm.s32 $0x0;
	s7 =	smul.u32 $0x4E20, s0  }
0x7: {  	s5 =	sand.u32 $0x1, s2;
	s2 =	rddreg [dreg:$0x3];
	s9 =	smul.u32 $0x1400, s0  }
0x8: {  	[smem:$0x7FF] =	sst s4;
	s12 =	smul.u32 $0x28000, s0;
	s31 =	sshll.u32 s0, $0x6  }
0x9: {  	s8 =	smul.u32 $0x4E200, s5;
	_ =	strace $0x80000047;
	s11 =	ssub.s32 $0x2, s5  }
0xa: {  	s10 =	smul.u32 $0x14000, s5;
	s5 =	sadd.s32 $0x1EE00, s6;
	s29 =	sshrl.u32 s11, $0x1  }
0xb: {  	s30 =	sshrl.u32 s12, $0x2;
	s12 =	sor.u32 $0x1C03, s31;
	s8 =	sadd.s32 s7, s8  }
0xc: {  	s7 =	sshrl.u32 s7, $0x3;
	s9 =	sadd.s32 s9, s10;
	s10 =	ssub.s32 s11, s29  }
0xd: {  	s13 =	sadd.s32 s30, s3;
	s11 =	simm.s32 $0x4E20;
	s8 =	sshrl.u32 s8, $0x3  }
0xe: {  	s7 =	sadd.s32 s7, s6;
	s9 =	sadd.s32 s9, s6;
	s8 =	sadd.s32 s8, s6  }
0xf: {  	s13 =	sshrl.u32 s13, $0x3;
	s7 =	sadd.s32 $0x1600, s7;
	s6 =	sadd.s32 $0xB400, s8  }
0x10: {  	s8 =	sadd.s32 $0x20200, s9;
	s9 =	smax.u32 s10, $0x1;
	s10 =	simm.s32 $0x3  }
.LBB2_1:
0x11: {  	[tilespmem:s4], [sflag:$0x3] =	stream.linear.gather [hbm4b:s6+s4], $0x4E20, $0x38;
	[tilespmem:$0x16440] =	vst v63  }
0x12: {  	_ =	swait.ge [sflag:s10], $0x4E20  }
0x13: {  	[sflag:s10] =	ssyncset.done $0x0  }
0x14: {  	[sflag:s10] =	ssyncadd.s32 $0xFFFFB1E0  }
0x15: {  	[tilespmem:s11], [sflag:$0x3] =	stream.linear.gather [hbm4b:s7+s4], $0x4E20, $0x38;
	[tilespmem:$0x16440] =	vst v63  }
0x16: {  	_ =	swait.ge [sflag:s10], $0x4E20  }
0x17: {  	[sflag:s10] =	ssyncset.done $0x0  }
0x18: {  	[sflag:s10] =	ssyncadd.s32 $0xFFFFB1E0  }
0x19: {  	[spmem:s13], [sflag:s12] =	dma.local [hbm:s5], $0x1400  }
0x1a: {  	_ =	swait.ge [sflag:s10], $0x1400  }
0x1b: {  	[sflag:s10] =	ssyncset.done $0x0  }
0x1c: {  	[sflag:s10] =	ssyncadd.s32 $0xFFFFEC00  }
0x1d: {  	[bflag:$0x0] =	sbarrier.arrive $0xFFFF  }
0x1e: {  	[tilespmem:s15], [sflag:$0x1] =	stream.indirect.gather [hbm4b:s1+s14], $0x40, s4, s14, $0xb8;
	[tilespmem:$0x16440] =	vst v63  }
0x1f: {  	_ = 	snop  }
0x20: {  	[tilespmem:s16], [sflag:$0x2] =	stream.indirect.gather [hbm4b:s1+s14], $0x40, s14, s14, $0xb8;
	[tilespmem:$0x16440] =	vst v63  }
0x21: {  	_ =	swait.ge [sflag:s17], $0x1400  }
0x22: {  	[sflag:s17] =	ssyncset.done $0x0  }
0x23: {  	s22 =	simm.s32 $0x4E20;
	[sflag:s17] =	ssyncadd.s32 $0xFFFFEC00  }
0x24: {  	[spmem:s3] =	stream.indirect.scatter.add.f32 [tilespmem:s15], [sflag:$0x3], $0x40, s22, s14, $0xb8;
	[tilespmem:$0x16440] =	vst v63  }
0x25: {  	_ =	swait.ge [sflag:s10], $0x1400  }
0x26: {  	[sflag:s10] =	ssyncset.done $0x0  }
0x27: {  	s30 =	simm.s32 $0xA0;
	[sflag:s10] =	ssyncadd.s32 $0xFFFFEC00  }
0x28: {  	[tilespmem:s15], [sflag:$0x1] =	stream.indirect.gather [hbm4b:s1+s14], $0x40, s30, s14, $0xb8;
	[tilespmem:$0x16440] =	vst v63  }
0x29: {  	_ =	swait.ge [sflag:s18], $0x1400  }
0x2a: {  	[sflag:s18] =	ssyncset.done $0x0  }
0x2b: {  	s31 =	simm.s32 $0x4E70;
	[sflag:s18] =	ssyncadd.s32 $0xFFFFEC00  }
0x2c: {  	[spmem:s3] =	stream.indirect.scatter.add.f32 [tilespmem:s16], [sflag:$0x3], $0x40, s31, s14, $0xb8;
	[tilespmem:$0x16440] =	vst v63  }
0x2d: {  	_ =	swait.ge [sflag:s10], $0x1400  }
0x2e: {  	[sflag:s10] =	ssyncset.done $0x0  }
0x2f: {  	s23 =	simm.s32 $0xF0;
	s22 =	simm.s32 $0x280;
	[sflag:s10] =	ssyncadd.s32 $0xFFFFEC00  }
.LBB2_2:
0x30: {  	[tilespmem:s16], [sflag:$0x2] =	stream.indirect.gather [hbm4b:s1+s14], $0x40, s23, s14, $0xb8;
	[tilespmem:$0x16440] =	vst v63  }
0x31: {  	s23 =	smov.u32 s22  }
0x32: {  	p0 =	sne.s32 s22, $0x13380;
	s22 =	sadd.s32 $0x280, s22;
	_ =	swait.ge [sflag:s17], $0x1400  }
0x33: {  	s23 =	sshra.s32 s23, $0x2;
	[sflag:s17] =	ssyncset.done $0x0  }
0x34: {  	s24 =	sadd.s32 $0x4E20, s23;
	[sflag:s17] =	ssyncadd.s32 $0xFFFFEC00  }
0x35: {  	[spmem:s3] =	stream.indirect.scatter.add.f32 [tilespmem:s15], [sflag:$0x3], $0x40, s24, s14, $0xb8;
	[tilespmem:$0x16440] =	vst v63  }
0x36: {  	_ =	swait.ge [sflag:s10], $0x1400  }
0x37: {  	[sflag:s10] =	ssyncset.done $0x0  }
0x38: {  	s24 =	sadd.s32 $0xA0, s23;
	[sflag:s10] =	ssyncadd.s32 $0xFFFFEC00  }
0x39: {  	[tilespmem:s15], [sflag:$0x1] =	stream.indirect.gather [hbm4b:s1+s14], $0x40, s24, s14, $0xb8;
	[tilespmem:$0x16440] =	vst v63  }
0x3a: {  	_ =	swait.ge [sflag:s18], $0x1400  }
0x3b: {  	[sflag:s18] =	ssyncset.done $0x0  }
.Ltmp0:
0x3c: {  	s24 =	sadd.s32 $0x4E70, s23;
	[sflag:s18] =	ssyncadd.s32 $0xFFFFEC00;
	(pc) =	sbr.rel @p0 .LBB2_2-.Ltmp0, $4  }
0x3d: {  	[spmem:s3] =	stream.indirect.scatter.add.f32 [tilespmem:s16], [sflag:$0x3], $0x40, s24, s14, $0xb8;
	[tilespmem:$0x16440] =	vst v63  }
0x3e: {  	_ =	swait.ge [sflag:s10], $0x1400  }
0x3f: {  	[sflag:s10] =	ssyncset.done $0x0  }
0x40: {  	s23 =	sadd.s32 $0xF0, s23;
	[sflag:s10] =	ssyncadd.s32 $0xFFFFEC00  }
0x41: {  	[tilespmem:s16], [sflag:$0x2] =	stream.indirect.gather [hbm4b:s1+s14], $0x40, s23, s14, $0xb8;
	[tilespmem:$0x16440] =	vst v63  }
0x42: {  	_ =	swait.ge [sflag:s17], $0x1400  }
0x43: {  	[sflag:s17] =	ssyncset.done $0x0  }
0x44: {  	[sflag:s17] =	ssyncadd.s32 $0xFFFFEC00  }
0x45: {  	[spmem:s3] =	stream.indirect.scatter.add.f32 [tilespmem:s15], [sflag:$0x3], $0x40, s19, s14, $0xb8;
	[tilespmem:$0x16440] =	vst v63  }
0x46: {  	_ =	swait.ge [sflag:s10], $0x1400  }
0x47: {  	[sflag:s10] =	ssyncset.done $0x0  }
0x48: {  	[sflag:s10] =	ssyncadd.s32 $0xFFFFEC00  }
0x49: {  	_ =	swait.ge [sflag:s18], $0x1400  }
0x4a: {  	[sflag:s18] =	ssyncset.done $0x0  }
0x4b: {  	[sflag:s18] =	ssyncadd.s32 $0xFFFFEC00  }
0x4c: {  	[spmem:s3] =	stream.indirect.scatter.add.f32 [tilespmem:s16], [sflag:$0x3], $0x40, s20, s14, $0xb8;
	[tilespmem:$0x16440] =	vst v63  }
0x4d: {  	_ =	swait.ge [sflag:s10], $0x1400  }
0x4e: {  	s21 =	sadd.s32 $0x1, s21;
	[sflag:s10] =	ssyncset.done $0x0  }
0x4f: {  	p0 =	sne.s32 s21, s9;
	[sflag:s10] =	ssyncadd.s32 $0xFFFFEC00  }
.Ltmp1:
0x50: {  	[bflag:$0x0] =	sbarrier.arrive $0xFFFF;
	(pc) =	sbr.rel @p0 .LBB2_1-.Ltmp1, $4  }
0x51: {  	[hbm:s8], [sflag:s12] =	dma.local [spmem:s13], $0x1400  }
0x52: {  	_ =	swait.ge [sflag:s10], $0x1400  }
0x53: {  	[sflag:s10] =	ssyncset.done $0x0  }
0x54: {  	[sflag:s10] =	ssyncadd.s32 $0xFFFFEC00  }
0x55: {  	_ =	sfence.sel $0x180000  }
0x56: {  	[bflag:$0x0] =	sbarrier.arrive $0xFFFF  }
0x57: {  	p0 =	sne.s32 s0, $0x0;
	_ =	strace $0x90000047  }
0x58: {  	s0 =	sadd.s32 @!p0 $0x100000, s2;
	[bflag:$0x2] =	sbarrier.arrive $0xFFFF  }
0x59: {  	[sflag:s0] =	ssyncadd.tile.s32 @!p0 $0x1;
	_ =	shalt  }
.Lfunc_end2:
_tile_overlayer_lowered:
.L_overlay_start_2:
0x5a: {  	(tag) =	ssettag $0x2  }
0x5b: {  	s0 =	rddreg [dreg:$0x0];
	s2 =	stileid.u32  }
0x5c: {  	s1 =	rddreg [dreg:$0x1];
	p0 =	sne.s32 s2, $0x0  }
0x5d: {  	s3 =	rddreg [dreg:$0x2];
	[bflag:$0x3] =	sbarrier.arrive $0xFFFF;
	s2 =	simm.s32 @!p0 $0x1C03  }
0x5e: {  	[timem:s3], [sflag:s2] =	dma.local @!p0 [hbm:s0], s1  }
0x5f: {  	s0 =	simm.s32 @!p0 $0x3  }
0x60: {  	_ =	swait.ge @!p0 [sflag:s0], s1  }
0x61: {  	s1 =	ssub.s32 @!p0 $0x0, s1;
	[sflag:s0] =	ssyncset.done @!p0 $0x0  }
0x62: {  	[sflag:s0] =	ssyncadd.s32 @!p0 s1  }
0x63: {  	[bflag:$0x3] =	sbarrier.arrive $0xFFFF  }
0x64: {  	_ =	shalt  }

</sc_bundles>
